<compile_context>
chip_gen: v7x
topology: tpu7x:2x2x1
jax: 0.10.2.dev20260603
libtpu: 0.0.44.dev20260713+nightly
codegen_flags: <defaults>
</compile_context>

<pallas_src>
import functools

import jax
import jax.numpy as jnp
import numpy as np
from jax import lax
from jax.experimental import pallas as pl
from jax.experimental.pallas import tpu as pltpu
from jax.experimental.pallas import tpu_sc as plsc

N_CLS = 100
N_CTX = 16
CTX_DIM = 512
N_PROMPT = 16
SEQ = 77
NAME_LEN = 3
SUF = SEQ - 1 - N_CTX

CLS_ROWS = 1 + SUF
CTX_ROWS = N_PROMPT * N_CTX
N_SEQ = N_CLS * N_PROMPT

NC = 2
NS = 16
NW = NC * NS
LANES = 16

TPAD = 80


def _layout_tables():
    ctx_k = np.full((3, SEQ), -1, np.int32)
    cls_j = np.full((3, SEQ), -1, np.int32)
    half = N_CTX // 2
    cls_j[2, 0] = 0
    ctx_k[2, 1:1 + N_CTX] = np.arange(N_CTX)
    cls_j[2, 1 + N_CTX:] = 1 + np.arange(SUF)
    cls_j[1, 0] = 0
    ctx_k[1, 1:1 + half] = np.arange(half)
    cls_j[1, 1 + half:1 + half + NAME_LEN] = 1 + np.arange(NAME_LEN)
    ctx_k[1, 1 + half + NAME_LEN:1 + N_CTX + NAME_LEN] = half + np.arange(half)
    cls_j[1, 1 + N_CTX + NAME_LEN:] = 1 + NAME_LEN + np.arange(SUF - NAME_LEN)
    cls_j[0, 0] = 0
    cls_j[0, 1:1 + NAME_LEN] = 1 + np.arange(NAME_LEN)
    ctx_k[0, 1 + NAME_LEN:1 + NAME_LEN + N_CTX] = np.arange(N_CTX)
    cls_j[0, 1 + NAME_LEN + N_CTX:] = 1 + NAME_LEN + np.arange(SUF - NAME_LEN)
    return ctx_k, cls_j


_CTX_K, _CLS_J = _layout_tables()


def _sc_assemble(base_flat, step_flat, table):
    mesh = plsc.VectorSubcoreMesh(
        core_axis_name="c", subcore_axis_name="s",
        num_cores=NC, num_subcores=NS)

    BLK = 112
    ROWS_PER_CLS = N_PROMPT * SEQ
    BLKS_PER_CLS = ROWS_PER_CLS // BLK
    N_BLK = N_CLS * BLKS_PER_CLS

    FULL = 72

    @functools.partial(
        pl.kernel,
        mesh=mesh,
        out_type=jax.ShapeDtypeStruct((N_SEQ, SEQ, CTX_DIM), jnp.float32),
        scratch_types=[
            pltpu.VMEM((N_PROMPT * SEQ,), jnp.int32),
            pltpu.VMEM((N_PROMPT * SEQ,), jnp.int32),
            pltpu.VMEM((FULL,), jnp.int32),
            pltpu.VMEM((FULL, CTX_DIM), jnp.float32),
            pltpu.SemaphoreType.DMA,
        ],
    )
    def assemble(base_hbm, step_hbm, table_hbm, out_hbm,
                 base_v, step_v, idx_v, rows_v, gsem):
        cid = lax.axis_index("c")
        sid = lax.axis_index("s")
        wid = sid * NC + cid

        pltpu.sync_copy(base_hbm, base_v)
        pltpu.sync_copy(step_hbm, step_v)

        @pl.loop(wid, N_SEQ, step=NW)
        def _(seq):
            cls = seq // N_PROMPT
            q0 = (seq % N_PROMPT) * SEQ
            for o in (0, 16, 32, 48, FULL - LANES):
                bv = base_v[pl.ds(q0 + o, LANES)]
                sv = step_v[pl.ds(q0 + o, LANES)]
                idx_v[pl.ds(o, LANES)] = bv + cls * sv
            pltpu.async_copy(table_hbm.at[idx_v], rows_v, gsem).wait()
            pltpu.sync_copy(rows_v, out_hbm.at[seq, pl.ds(0, FULL)])

    return assemble(base_flat, step_flat, table)


def _tc_tail_fix(prompts3d, token_suffix):
    def body(alias_ref, suf_ref, out_ref):
        del alias_ref
        suf = suf_ref[0]
        tail8 = jnp.concatenate([suf[55:60], suf[55:58]], axis=0)
        out_ref[...] = jnp.broadcast_to(tail8[None], (N_PROMPT, 8, CTX_DIM))

    return pl.pallas_call(
        body,
        grid=(N_CLS,),
        in_specs=[
            pl.BlockSpec(memory_space=pltpu.MemorySpace.HBM),
            pl.BlockSpec((1, SUF, CTX_DIM), lambda c: (c, 0, 0)),
        ],
        out_specs=pl.BlockSpec((N_PROMPT, 8, CTX_DIM), lambda c: (c, 9, 0)),
        out_shape=jax.ShapeDtypeStruct((N_SEQ, SEQ, CTX_DIM), jnp.float32),
        input_output_aliases={0: 0},
    )(prompts3d, token_suffix)


def _tc_small(tokenized_prompts, nc_tokenized_prompts, ctx,
              nc_token_prefix, nc_token_suffix):

    def body(tok_ref, nc_tok_ref, ctx_ref, ncp_ref, ncs_ref,
             tok_out, nc_tok_out, ncprompt_out):
        tok = tok_ref[...]
        tok_out[...] = jnp.broadcast_to(
            tok[:, None, :], (N_CLS, N_PROMPT, SEQ))
        nc_tok_out[...] = jnp.broadcast_to(
            nc_tok_ref[...], (N_PROMPT, SEQ))
        ncprompt_out[:, 0:1, :] = jnp.broadcast_to(
            ncp_ref[...], (N_PROMPT, 1, CTX_DIM))
        ncprompt_out[:, 1:1 + N_CTX, :] = ctx_ref[...]
        ncprompt_out[:, 1 + N_CTX:, :] = jnp.broadcast_to(
            ncs_ref[...], (N_PROMPT, SUF, CTX_DIM))

    return pl.pallas_call(
        body,
        out_shape=(
            jax.ShapeDtypeStruct((N_CLS, N_PROMPT, SEQ), jnp.int32),
            jax.ShapeDtypeStruct((N_PROMPT, SEQ), jnp.int32),
            jax.ShapeDtypeStruct((N_PROMPT, SEQ, CTX_DIM), jnp.float32),
        ),
    )(tokenized_prompts, nc_tokenized_prompts, ctx,
      nc_token_prefix, nc_token_suffix)


@jax.jit
def kernel(ctx, token_prefix, token_suffix, nc_token_prefix, nc_token_suffix,
           tokenized_prompts, nc_tokenized_prompts, pos):
    perm = jnp.argsort(-pos, stable=True)
    v = pos[perm]

    ctx_k = jnp.asarray(_CTX_K)[v]
    cls_j = jnp.asarray(_CLS_J)[v]
    is_ctx = ctx_k >= 0
    base = jnp.where(is_ctx, perm[:, None] * N_CTX + ctx_k,
                     CTX_ROWS + cls_j).astype(jnp.int32)
    step = jnp.where(is_ctx, 0, CLS_ROWS).astype(jnp.int32)
    base = base.reshape(-1)
    step = step.reshape(-1)

    cls_rows = jnp.concatenate([token_prefix, token_suffix], axis=1)
    table = jnp.concatenate(
        [ctx.reshape(CTX_ROWS, CTX_DIM),
         cls_rows.reshape(N_CLS * CLS_ROWS, CTX_DIM)], axis=0)

    prompts = _tc_tail_fix(_sc_assemble(base, step, table), token_suffix)
    tok_tiled, nc_tok, nc_prompts = _tc_small(
        tokenized_prompts, nc_tokenized_prompts, ctx,
        nc_token_prefix, nc_token_suffix)
    tokenized = tok_tiled.reshape(N_SEQ, SEQ)
    return prompts, tokenized, nc_prompts, nc_tok

# --- scband reference (transcript-rebuilt; emitter-appended) ---
"""Pipeline reference for scband-prompt-learner-42838003810655 (READ-ONLY COPY).

The authoritative reference and input builder live on the scoring server;
editing this copy changes nothing except your own understanding.
"""

import jax, jax.numpy as jnp
import numpy as np

N_CLS = 100
N_CTX = 16
CTX_DIM = 512
N_PROMPT = 16
SEQ = 77
NAME_LEN = 3
SUF = SEQ - 1 - N_CTX
VOCAB = 49408


def setup_inputs(seed: int = 0) -> dict:
    key = jax.random.key(seed)
    ks = jax.random.split(key, 8)
    return {
        "ctx": jax.random.normal(ks[0], (N_PROMPT, N_CTX, CTX_DIM), dtype=jnp.float32) * 0.02,
        "token_prefix": jax.random.normal(ks[1], (N_CLS, 1, CTX_DIM), dtype=jnp.float32),
        "token_suffix": jax.random.normal(ks[2], (N_CLS, SUF, CTX_DIM), dtype=jnp.float32),
        "nc_token_prefix": jax.random.normal(ks[3], (1, 1, CTX_DIM), dtype=jnp.float32),
        "nc_token_suffix": jax.random.normal(ks[4], (1, SUF, CTX_DIM), dtype=jnp.float32),
        "tokenized_prompts": jax.random.randint(ks[5], (N_CLS, SEQ), 0, VOCAB, dtype=jnp.int32),
        "nc_tokenized_prompts": jax.random.randint(ks[6], (1, SEQ), 0, VOCAB, dtype=jnp.int32),
        "pos": jnp.sort(jax.random.randint(ks[7], (N_PROMPT,), 0, 3, dtype=jnp.int32)),
    }


def reference(ctx, token_prefix, token_suffix, nc_token_prefix, nc_token_suffix,
              tokenized_prompts, nc_tokenized_prompts, pos):
    # n_prompt == prompt_bsz -> n_iter == 1 -> full ctx/pos used (deterministic branch).
    prompt_size = ctx.shape[0]
    n_cls = token_prefix.shape[0]

    tokenized = jnp.reshape(
        jnp.tile(tokenized_prompts[:, None, :], (1, prompt_size, 1)),
        (n_cls * prompt_size, -1))

    half = N_CTX // 2

    prefix_b = jnp.broadcast_to(token_prefix[:, None, :, :],
                                (n_cls, prompt_size, 1, CTX_DIM))
    suffix_b = jnp.broadcast_to(token_suffix[:, None, :, :],
                                (n_cls, prompt_size, SUF, CTX_DIM))
    class_b = jnp.broadcast_to(token_suffix[:, None, :NAME_LEN, :],
                               (n_cls, prompt_size, NAME_LEN, CTX_DIM))
    rest_b = jnp.broadcast_to(token_suffix[:, None, NAME_LEN:, :],
                              (n_cls, prompt_size, SUF - NAME_LEN, CTX_DIM))
    ctx_b = jnp.broadcast_to(ctx[None, :, :, :],
                             (n_cls, prompt_size, N_CTX, CTX_DIM))

    # --- class-token-at-end layout ---
    prompts_end_all = jnp.concatenate([prefix_b, ctx_b, suffix_b], axis=2)

    # --- class-token-in-middle layout ---
    prompts_middle_all = jnp.concatenate(
        [prefix_b, ctx_b[:, :, :half, :], class_b, ctx_b[:, :, half:, :], rest_b],
        axis=2)

    # --- class-token-at-front layout ---
    prompts_front_all = jnp.concatenate([prefix_b, class_b, ctx_b, rest_b], axis=2)

    pos_sel = pos[None, :, None, None]
    selected = jnp.where(pos_sel == 2, prompts_end_all,
                         jnp.where(pos_sel == 1, prompts_middle_all,
                                   prompts_front_all))

    # Reorder prompt slots: all pos==2 first, then pos==1, then pos==0,
    # preserving original index order within each group (stable sort).
    perm = jnp.argsort(-pos, stable=True)
    selected = selected[:, perm, :, :]

    prompts = jnp.reshape(selected, (prompt_size * n_cls, -1, CTX_DIM))

    # --- only_prefix (name-class-agnostic prompts) ---
    nc_tokenized = jnp.tile(nc_tokenized_prompts, (prompt_size, 1))
    nc_prefix = jnp.tile(nc_token_prefix, (prompt_size, 1, 1))
    nc_suffix = jnp.tile(nc_token_suffix, (prompt_size, 1, 1))
    nc_prompts = jnp.concatenate([nc_prefix, ctx, nc_suffix], axis=1)

    return (prompts, tokenized, nc_prompts, nc_tokenized)

if __name__ == "__main__":
    import jax
    _d = setup_inputs()
    print(jax.jit(kernel)(*tuple(_d.values())))

</pallas_src>

<mosaic_0001>
#map = affine_map<(d0, d1) -> (0)>
#map1 = affine_map<(d0, d1) -> (0, 0)>
#map2 = affine_map<(d0, d1) -> (0, 0, 0)>
module attributes {stable_mosaic.version = 14 : i64} {
  func.func @assemble(%arg0: i32, %arg1: i32, %arg2: memref<1232xi32, #tpu.memory_space<hbm>>, %arg3: memref<1232xi32, #tpu.memory_space<hbm>>, %arg4: memref<6356x512xf32, #tpu.memory_space<hbm>>, %arg5: memref<1600x77x512xf32, #tpu.memory_space<hbm>>, %arg6: memref<1232xi32, #tpu.memory_space<vmem>>, %arg7: memref<1232xi32, #tpu.memory_space<vmem>>, %arg8: memref<72xi32, #tpu.memory_space<vmem>>, %arg9: memref<72x512xf32, #tpu.memory_space<vmem>>, %arg10: memref<!tpu.dma_semaphore, #tpu.memory_space<semaphore_mem>>) attributes {dimension_semantics = [#tpu.dimension_semantics<core_parallel>, #tpu.dimension_semantics<subcore_parallel>], iteration_bounds = array<i64: 2, 16>, scalar_prefetch = 0 : i64, scratch_operands = 5 : i64, tpu.core_type = #tpu.core_type<sc_vector_subcore>, window_params = [{transform_indices = #map}, {transform_indices = #map}, {transform_indices = #map1}, {transform_indices = #map2}]} {
    %mul3A = arith.constant 2 : i32
    %mul3A_0 = arith.muli %arg1, %mul3A : i32
    %add3A = arith.addi %mul3A_0, %arg0 : i32
    "tpu.region"() ({
      %run_scoped3A = tpu.sem_alloc : memref<!tpu.dma_semaphore, #tpu.memory_space<semaphore_mem>>
      tpu.enqueue_dma source(%arg2 : memref<1232xi32, #tpu.memory_space<hbm>>) target(%arg6 : memref<1232xi32, #tpu.memory_space<vmem>>) target_semaphore(%run_scoped3A : memref<!tpu.dma_semaphore, #tpu.memory_space<semaphore_mem>>)
      tpu.wait_dma2 semaphore(%run_scoped3A : memref<!tpu.dma_semaphore, #tpu.memory_space<semaphore_mem>>) src(%arg2 : memref<1232xi32, #tpu.memory_space<hbm>>) dst(%arg6 : memref<1232xi32, #tpu.memory_space<vmem>>)
      tpu.yield
    }) : () -> ()
    "tpu.region"() ({
      %run_scoped3A = tpu.sem_alloc : memref<!tpu.dma_semaphore, #tpu.memory_space<semaphore_mem>>
      tpu.enqueue_dma source(%arg3 : memref<1232xi32, #tpu.memory_space<hbm>>) target(%arg7 : memref<1232xi32, #tpu.memory_space<vmem>>) target_semaphore(%run_scoped3A : memref<!tpu.dma_semaphore, #tpu.memory_space<semaphore_mem>>)
      tpu.wait_dma2 semaphore(%run_scoped3A : memref<!tpu.dma_semaphore, #tpu.memory_space<semaphore_mem>>) src(%arg3 : memref<1232xi32, #tpu.memory_space<hbm>>) dst(%arg7 : memref<1232xi32, #tpu.memory_space<vmem>>)
      tpu.yield
    }) : () -> ()
    %sub3A = arith.constant 1600 : i32
    %sub3A_1 = arith.subi %sub3A, %add3A : i32
    %sub3A_2 = arith.constant 32 : i32
    %sub3A_3 = arith.constant 1 : i32
    %sub3A_4 = arith.subi %sub3A_2, %sub3A_3 : i32
    %add3A_5 = arith.addi %sub3A_1, %sub3A_4 : i32
    %div3A = arith.constant 32 : i32
    %div3A_6 = arith.divsi %add3A_5, %div3A : i32
    %while3A = arith.constant 32 : i32
    %while3A_7 = arith.constant 0 : i32
    %while3A_8 = arith.subi %div3A_6, %while3A_7 : i32
    %while3A_9 = arith.addi %while3A_7, %while3A_8 : i32
    %while3A_10 = arith.constant 1 : i32
    %while3A_11 = arith.divsi %while3A_8, %while3A_10 : i32
    %while3A_12 = arith.muli %while3A_11, %while3A_10 : i32
    %while3A_13 = arith.addi %while3A_7, %while3A_12 : i32
    %while3A_14 = arith.constant 1 : i32
    scf.for %while3A_16 = %while3A_7 to %while3A_13 step %while3A_14  : i32 {
      %mul3A_17 = arith.muli %while3A_16, %while3A : i32
      %add3A_18 = arith.addi %add3A, %mul3A_17 : i32
      %jit3A = arith.constant 16 : i32
      %div3A_19 = arith.divsi %add3A_18, %jit3A : i32
      %sign3A = arith.constant 0 : i32
      %sign3A_20 = arith.cmpi sgt, %add3A_18, %sign3A : i32
      %sign3A_21 = arith.extui %sign3A_20 : i1 to i32
      %sign3A_22 = arith.constant 0 : i32
      %sign3A_23 = arith.cmpi slt, %add3A_18, %sign3A_22 : i32
      %sign3A_24 = arith.extui %sign3A_23 : i1 to i32
      %sign3A_25 = arith.subi %sign3A_21, %sign3A_24 : i32
      %sign3A_26 = arith.constant 0 : i32
      %sign3A_27 = arith.cmpi sgt, %jit3A, %sign3A_26 : i32
      %sign3A_28 = arith.extui %sign3A_27 : i1 to i32
      %sign3A_29 = arith.constant 0 : i32
      %sign3A_30 = arith.cmpi slt, %jit3A, %sign3A_29 : i32
      %sign3A_31 = arith.extui %sign3A_30 : i1 to i32
      %sign3A_32 = arith.subi %sign3A_28, %sign3A_31 : i32
      %ne3A = arith.cmpi ne, %sign3A_25, %sign3A_32 : i32
      %rem3A = arith.remsi %add3A_18, %jit3A : i32
      %ne3A_33 = arith.constant 0 : i32
      %ne3A_34 = arith.cmpi ne, %rem3A, %ne3A_33 : i32
      %and3A = arith.andi %ne3A, %ne3A_34 : i1
      %sub3A_35 = arith.constant 1 : i32
      %sub3A_36 = arith.subi %div3A_19, %sub3A_35 : i32
      %select_n3A = arith.select %and3A, %sub3A_36, %div3A_19 : i32
      %jit3A_37 = arith.constant 16 : i32
      %eq3A = arith.constant 0 : i32
      %eq3A_38 = arith.cmpi eq, %jit3A_37, %eq3A : i32
      %jit3A_39 = arith.constant 1 : i32
      %select_n3A_40 = arith.select %eq3A_38, %jit3A_39, %jit3A_37 : i32
      %rem3A_41 = arith.remsi %add3A_18, %select_n3A_40 : i32
      %ne3A_42 = arith.constant 0 : i32
      %ne3A_43 = arith.cmpi ne, %rem3A_41, %ne3A_42 : i32
      %lt3A = arith.constant 0 : i32
      %lt3A_44 = arith.cmpi slt, %rem3A_41, %lt3A : i32
      %lt3A_45 = arith.constant 0 : i32
      %lt3A_46 = arith.cmpi slt, %select_n3A_40, %lt3A_45 : i32
      %ne3A_47 = arith.xori %lt3A_44, %lt3A_46 : i1
      %and3A_48 = arith.andi %ne3A_47, %ne3A_43 : i1
      %add3A_49 = arith.addi %rem3A_41, %select_n3A_40 : i32
      %select_n3A_50 = arith.select %and3A_48, %add3A_49, %rem3A_41 : i32
      %mul3A_51 = arith.constant 77 : i32
      %mul3A_52 = arith.muli %select_n3A_50, %mul3A_51 : i32
      %add3A_53 = arith.constant 0 : i32
      %add3A_54 = arith.addi %mul3A_52, %add3A_53 : i32
      %get3A = arith.index_cast %add3A_54 : i32 to index
      %get3A_55 = tpu.vector_load %arg6[%get3A] {strides = array<i32>} : memref<1232xi32, #tpu.memory_space<vmem>>, vector<16xi32>,
      %get3A_56 = vector.shape_cast %get3A_55 : vector<16xi32> to vector<16xi32>
      %add3A_57 = arith.constant 0 : i32
      %add3A_58 = arith.addi %mul3A_52, %add3A_57 : i32
      %get3A_59 = arith.index_cast %add3A_58 : i32 to index
      %get3A_60 = tpu.vector_load %arg7[%get3A_59] {strides = array<i32>} : memref<1232xi32, #tpu.memory_space<vmem>>, vector<16xi32>,
      %get3A_61 = vector.shape_cast %get3A_60 : vector<16xi32> to vector<16xi32>
      %mul3A_62 = vector.broadcast %select_n3A : i32 to vector<16xi32>
      %mul3A_63 = arith.muli %mul3A_62, %get3A_61 : vector<16xi32>
      %add3A_64 = arith.addi %get3A_56, %mul3A_63 : vector<16xi32>
      %swap3A = arith.constant 0 : index
      %swap3A_65 = tpu.vector_load %arg8[%swap3A] {strides = array<i32>} : memref<72xi32, #tpu.memory_space<vmem>>, vector<16xi32>,
      %swap3A_66 = vector.shape_cast %swap3A_65 : vector<16xi32> to vector<16xi32>
      %swap3A_67 = vector.shape_cast %add3A_64 : vector<16xi32> to vector<16xi32>
      tpu.vector_store %arg8[%swap3A], %swap3A_67 {strides = array<i32>} : memref<72xi32, #tpu.memory_space<vmem>>, vector<16xi32>,
      %add3A_68 = arith.constant 16 : i32
      %add3A_69 = arith.addi %mul3A_52, %add3A_68 : i32
      %get3A_70 = arith.index_cast %add3A_69 : i32 to index
      %get3A_71 = tpu.vector_load %arg6[%get3A_70] {strides = array<i32>} : memref<1232xi32, #tpu.memory_space<vmem>>, vector<16xi32>,
      %get3A_72 = vector.shape_cast %get3A_71 : vector<16xi32> to vector<16xi32>
      %add3A_73 = arith.constant 16 : i32
      %add3A_74 = arith.addi %mul3A_52, %add3A_73 : i32
      %get3A_75 = arith.index_cast %add3A_74 : i32 to index
      %get3A_76 = tpu.vector_load %arg7[%get3A_75] {strides = array<i32>} : memref<1232xi32, #tpu.memory_space<vmem>>, vector<16xi32>,
      %get3A_77 = vector.shape_cast %get3A_76 : vector<16xi32> to vector<16xi32>
      %mul3A_78 = vector.broadcast %select_n3A : i32 to vector<16xi32>
      %mul3A_79 = arith.muli %mul3A_78, %get3A_77 : vector<16xi32>
      %add3A_80 = arith.addi %get3A_72, %mul3A_79 : vector<16xi32>
      %swap3A_81 = arith.constant 16 : index
      %swap3A_82 = tpu.vector_load %arg8[%swap3A_81] {strides = array<i32>} : memref<72xi32, #tpu.memory_space<vmem>>, vector<16xi32>,
      %swap3A_83 = vector.shape_cast %swap3A_82 : vector<16xi32> to vector<16xi32>
      %swap3A_84 = vector.shape_cast %add3A_80 : vector<16xi32> to vector<16xi32>
      tpu.vector_store %arg8[%swap3A_81], %swap3A_84 {strides = array<i32>} : memref<72xi32, #tpu.memory_space<vmem>>, vector<16xi32>,
      %add3A_85 = arith.constant 32 : i32
      %add3A_86 = arith.addi %mul3A_52, %add3A_85 : i32
      %get3A_87 = arith.index_cast %add3A_86 : i32 to index
      %get3A_88 = tpu.vector_load %arg6[%get3A_87] {strides = array<i32>} : memref<1232xi32, #tpu.memory_space<vmem>>, vector<16xi32>,
      %get3A_89 = vector.shape_cast %get3A_88 : vector<16xi32> to vector<16xi32>
      %add3A_90 = arith.constant 32 : i32
      %add3A_91 = arith.addi %mul3A_52, %add3A_90 : i32
      %get3A_92 = arith.index_cast %add3A_91 : i32 to index
      %get3A_93 = tpu.vector_load %arg7[%get3A_92] {strides = array<i32>} : memref<1232xi32, #tpu.memory_space<vmem>>, vector<16xi32>,
      %get3A_94 = vector.shape_cast %get3A_93 : vector<16xi32> to vector<16xi32>
      %mul3A_95 = vector.broadcast %select_n3A : i32 to vector<16xi32>
      %mul3A_96 = arith.muli %mul3A_95, %get3A_94 : vector<16xi32>
      %add3A_97 = arith.addi %get3A_89, %mul3A_96 : vector<16xi32>
      %swap3A_98 = arith.constant 32 : index
      %swap3A_99 = tpu.vector_load %arg8[%swap3A_98] {strides = array<i32>} : memref<72xi32, #tpu.memory_space<vmem>>, vector<16xi32>,
      %swap3A_100 = vector.shape_cast %swap3A_99 : vector<16xi32> to vector<16xi32>
      %swap3A_101 = vector.shape_cast %add3A_97 : vector<16xi32> to vector<16xi32>
      tpu.vector_store %arg8[%swap3A_98], %swap3A_101 {strides = array<i32>} : memref<72xi32, #tpu.memory_space<vmem>>, vector<16xi32>,
      %add3A_102 = arith.constant 48 : i32
      %add3A_103 = arith.addi %mul3A_52, %add3A_102 : i32
      %get3A_104 = arith.index_cast %add3A_103 : i32 to index
      %get3A_105 = tpu.vector_load %arg6[%get3A_104] {strides = array<i32>} : memref<1232xi32, #tpu.memory_space<vmem>>, vector<16xi32>,
      %get3A_106 = vector.shape_cast %get3A_105 : vector<16xi32> to vector<16xi32>
      %add3A_107 = arith.constant 48 : i32
      %add3A_108 = arith.addi %mul3A_52, %add3A_107 : i32
      %get3A_109 = arith.index_cast %add3A_108 : i32 to index
      %get3A_110 = tpu.vector_load %arg7[%get3A_109] {strides = array<i32>} : memref<1232xi32, #tpu.memory_space<vmem>>, vector<16xi32>,
      %get3A_111 = vector.shape_cast %get3A_110 : vector<16xi32> to vector<16xi32>
      %mul3A_112 = vector.broadcast %select_n3A : i32 to vector<16xi32>
      %mul3A_113 = arith.muli %mul3A_112, %get3A_111 : vector<16xi32>
      %add3A_114 = arith.addi %get3A_106, %mul3A_113 : vector<16xi32>
      %swap3A_115 = arith.constant 48 : index
      %swap3A_116 = tpu.vector_load %arg8[%swap3A_115] {strides = array<i32>} : memref<72xi32, #tpu.memory_space<vmem>>, vector<16xi32>,
      %swap3A_117 = vector.shape_cast %swap3A_116 : vector<16xi32> to vector<16xi32>
      %swap3A_118 = vector.shape_cast %add3A_114 : vector<16xi32> to vector<16xi32>
      tpu.vector_store %arg8[%swap3A_115], %swap3A_118 {strides = array<i32>} : memref<72xi32, #tpu.memory_space<vmem>>, vector<16xi32>,
      %add3A_119 = arith.constant 56 : i32
      %add3A_120 = arith.addi %mul3A_52, %add3A_119 : i32
      %get3A_121 = arith.index_cast %add3A_120 : i32 to index
      %get3A_122 = tpu.vector_load %arg6[%get3A_121] {strides = array<i32>} : memref<1232xi32, #tpu.memory_space<vmem>>, vector<16xi32>,
      %get3A_123 = vector.shape_cast %get3A_122 : vector<16xi32> to vector<16xi32>
      %add3A_124 = arith.constant 56 : i32
      %add3A_125 = arith.addi %mul3A_52, %add3A_124 : i32
      %get3A_126 = arith.index_cast %add3A_125 : i32 to index
      %get3A_127 = tpu.vector_load %arg7[%get3A_126] {strides = array<i32>} : memref<1232xi32, #tpu.memory_space<vmem>>, vector<16xi32>,
      %get3A_128 = vector.shape_cast %get3A_127 : vector<16xi32> to vector<16xi32>
      %mul3A_129 = vector.broadcast %select_n3A : i32 to vector<16xi32>
      %mul3A_130 = arith.muli %mul3A_129, %get3A_128 : vector<16xi32>
      %add3A_131 = arith.addi %get3A_123, %mul3A_130 : vector<16xi32>
      %swap3A_132 = arith.constant 56 : index
      %swap3A_133 = tpu.vector_load %arg8[%swap3A_132] {strides = array<i32>} : memref<72xi32, #tpu.memory_space<vmem>>, vector<16xi32>,
      %swap3A_134 = vector.shape_cast %swap3A_133 : vector<16xi32> to vector<16xi32>
      %swap3A_135 = vector.shape_cast %add3A_131 : vector<16xi32> to vector<16xi32>
      tpu.vector_store %arg8[%swap3A_132], %swap3A_135 {strides = array<i32>} : memref<72xi32, #tpu.memory_space<vmem>>, vector<16xi32>,
      %dma_start3A = arith.constant 0 : i32
      %dma_start3A_136 = arith.constant 0 : i32
      %dma_start3A_137 = tpu.memref_slice %arg4[%dma_start3A, %dma_start3A_136] : memref<6356x512xf32, #tpu.memory_space<hbm>> -> memref<6356x512xf32, #tpu.memory_space<hbm>>
      tpu.enqueue_indirect_dma source(%dma_start3A_137 : memref<6356x512xf32, #tpu.memory_space<hbm>>) target(%arg9 : memref<72x512xf32, #tpu.memory_space<vmem>>) offsets(%arg8 : memref<72xi32, #tpu.memory_space<vmem>>) semaphore(%arg10 : memref<!tpu.dma_semaphore, #tpu.memory_space<semaphore_mem>>)
      %dma_wait3A = arith.constant 0 : i32
      %dma_wait3A_138 = arith.constant 0 : i32
      %dma_wait3A_139 = tpu.memref_slice %arg4[%dma_wait3A, %dma_wait3A_138] : memref<6356x512xf32, #tpu.memory_space<hbm>> -> memref<6356x512xf32, #tpu.memory_space<hbm>>
      tpu.wait_indirect_dma semaphore(%arg10 : memref<!tpu.dma_semaphore, #tpu.memory_space<semaphore_mem>>) src(%dma_wait3A_139 : memref<6356x512xf32, #tpu.memory_space<hbm>>) dst(%arg9 : memref<72x512xf32, #tpu.memory_space<vmem>>)
      "tpu.region"() ({
        %run_scoped3A = tpu.sem_alloc : memref<!tpu.dma_semaphore, #tpu.memory_space<semaphore_mem>>
        %dma_start3A_140 = arith.constant 0 : i32
        %dma_start3A_141 = arith.constant 0 : i32
        %dma_start3A_142 = tpu.memref_slice %arg5[%add3A_18, %dma_start3A_140, %dma_start3A_141] : memref<1600x77x512xf32, #tpu.memory_space<hbm>> -> memref<1x72x512xf32, #tpu.memory_space<hbm>>
        %dma_start3A_143 = tpu.memref_squeeze %dma_start3A_142 : memref<1x72x512xf32, #tpu.memory_space<hbm>> -> memref<72x512xf32, #tpu.memory_space<hbm>>
        %dma_start3A_144 = arith.constant 0 : i32
        %dma_start3A_145 = arith.constant 0 : i32
        %dma_start3A_146 = tpu.memref_slice %arg5[%add3A_18, %dma_start3A_144, %dma_start3A_145] : memref<1600x77x512xf32, #tpu.memory_space<hbm>> -> memref<1x72x512xf32, #tpu.memory_space<hbm>>
        %dma_start3A_147 = tpu.memref_squeeze %dma_start3A_146 : memref<1x72x512xf32, #tpu.memory_space<hbm>> -> memref<72x512xf32, #tpu.memory_space<hbm>>
        tpu.enqueue_dma source(%arg9 : memref<72x512xf32, #tpu.memory_space<vmem>>) target(%dma_start3A_147 : memref<72x512xf32, #tpu.memory_space<hbm>>) target_semaphore(%run_scoped3A : memref<!tpu.dma_semaphore, #tpu.memory_space<semaphore_mem>>)
        %dma_wait3A_148 = arith.constant 0 : i32
        %dma_wait3A_149 = arith.constant 0 : i32
        %dma_wait3A_150 = tpu.memref_slice %arg5[%add3A_18, %dma_wait3A_148, %dma_wait3A_149] : memref<1600x77x512xf32, #tpu.memory_space<hbm>> -> memref<1x72x512xf32, #tpu.memory_space<hbm>>
        %dma_wait3A_151 = tpu.memref_squeeze %dma_wait3A_150 : memref<1x72x512xf32, #tpu.memory_space<hbm>> -> memref<72x512xf32, #tpu.memory_space<hbm>>
        %dma_wait3A_152 = arith.constant 0 : i32
        %dma_wait3A_153 = arith.constant 0 : i32
        %dma_wait3A_154 = tpu.memref_slice %arg5[%add3A_18, %dma_wait3A_152, %dma_wait3A_153] : memref<1600x77x512xf32, #tpu.memory_space<hbm>> -> memref<1x72x512xf32, #tpu.memory_space<hbm>>
        %dma_wait3A_155 = tpu.memref_squeeze %dma_wait3A_154 : memref<1x72x512xf32, #tpu.memory_space<hbm>> -> memref<72x512xf32, #tpu.memory_space<hbm>>
        tpu.wait_dma2 semaphore(%run_scoped3A : memref<!tpu.dma_semaphore, #tpu.memory_space<semaphore_mem>>) src(%arg9 : memref<72x512xf32, #tpu.memory_space<vmem>>) dst(%dma_wait3A_155 : memref<72x512xf32, #tpu.memory_space<hbm>>)
        tpu.yield
      }) : () -> ()
    }
    %while3A_15 = arith.constant 1 : i32
    scf.for %while3A_16 = %while3A_13 to %while3A_9 step %while3A_15  : i32 {
      %mul3A_17 = arith.muli %while3A_16, %while3A : i32
      %add3A_18 = arith.addi %add3A, %mul3A_17 : i32
      %jit3A = arith.constant 16 : i32
      %div3A_19 = arith.divsi %add3A_18, %jit3A : i32
      %sign3A = arith.constant 0 : i32
      %sign3A_20 = arith.cmpi sgt, %add3A_18, %sign3A : i32
      %sign3A_21 = arith.extui %sign3A_20 : i1 to i32
      %sign3A_22 = arith.constant 0 : i32
      %sign3A_23 = arith.cmpi slt, %add3A_18, %sign3A_22 : i32
      %sign3A_24 = arith.extui %sign3A_23 : i1 to i32
      %sign3A_25 = arith.subi %sign3A_21, %sign3A_24 : i32
      %sign3A_26 = arith.constant 0 : i32
      %sign3A_27 = arith.cmpi sgt, %jit3A, %sign3A_26 : i32
      %sign3A_28 = arith.extui %sign3A_27 : i1 to i32
      %sign3A_29 = arith.constant 0 : i32
      %sign3A_30 = arith.cmpi slt, %jit3A, %sign3A_29 : i32
      %sign3A_31 = arith.extui %sign3A_30 : i1 to i32
      %sign3A_32 = arith.subi %sign3A_28, %sign3A_31 : i32
      %ne3A = arith.cmpi ne, %sign3A_25, %sign3A_32 : i32
      %rem3A = arith.remsi %add3A_18, %jit3A : i32
      %ne3A_33 = arith.constant 0 : i32
      %ne3A_34 = arith.cmpi ne, %rem3A, %ne3A_33 : i32
      %and3A = arith.andi %ne3A, %ne3A_34 : i1
      %sub3A_35 = arith.constant 1 : i32
      %sub3A_36 = arith.subi %div3A_19, %sub3A_35 : i32
      %select_n3A = arith.select %and3A, %sub3A_36, %div3A_19 : i32
      %jit3A_37 = arith.constant 16 : i32
      %eq3A = arith.constant 0 : i32
      %eq3A_38 = arith.cmpi eq, %jit3A_37, %eq3A : i32
      %jit3A_39 = arith.constant 1 : i32
      %select_n3A_40 = arith.select %eq3A_38, %jit3A_39, %jit3A_37 : i32
      %rem3A_41 = arith.remsi %add3A_18, %select_n3A_40 : i32
      %ne3A_42 = arith.constant 0 : i32
      %ne3A_43 = arith.cmpi ne, %rem3A_41, %ne3A_42 : i32
      %lt3A = arith.constant 0 : i32
      %lt3A_44 = arith.cmpi slt, %rem3A_41, %lt3A : i32
      %lt3A_45 = arith.constant 0 : i32
      %lt3A_46 = arith.cmpi slt, %select_n3A_40, %lt3A_45 : i32
      %ne3A_47 = arith.xori %lt3A_44, %lt3A_46 : i1
      %and3A_48 = arith.andi %ne3A_47, %ne3A_43 : i1
      %add3A_49 = arith.addi %rem3A_41, %select_n3A_40 : i32
      %select_n3A_50 = arith.select %and3A_48, %add3A_49, %rem3A_41 : i32
      %mul3A_51 = arith.constant 77 : i32
      %mul3A_52 = arith.muli %select_n3A_50, %mul3A_51 : i32
      %add3A_53 = arith.constant 0 : i32
      %add3A_54 = arith.addi %mul3A_52, %add3A_53 : i32
      %get3A = arith.index_cast %add3A_54 : i32 to index
      %get3A_55 = tpu.vector_load %arg6[%get3A] {strides = array<i32>} : memref<1232xi32, #tpu.memory_space<vmem>>, vector<16xi32>,
      %get3A_56 = vector.shape_cast %get3A_55 : vector<16xi32> to vector<16xi32>
      %add3A_57 = arith.constant 0 : i32
      %add3A_58 = arith.addi %mul3A_52, %add3A_57 : i32
      %get3A_59 = arith.index_cast %add3A_58 : i32 to index
      %get3A_60 = tpu.vector_load %arg7[%get3A_59] {strides = array<i32>} : memref<1232xi32, #tpu.memory_space<vmem>>, vector<16xi32>,
      %get3A_61 = vector.shape_cast %get3A_60 : vector<16xi32> to vector<16xi32>
      %mul3A_62 = vector.broadcast %select_n3A : i32 to vector<16xi32>
      %mul3A_63 = arith.muli %mul3A_62, %get3A_61 : vector<16xi32>
      %add3A_64 = arith.addi %get3A_56, %mul3A_63 : vector<16xi32>
      %swap3A = arith.constant 0 : index
      %swap3A_65 = tpu.vector_load %arg8[%swap3A] {strides = array<i32>} : memref<72xi32, #tpu.memory_space<vmem>>, vector<16xi32>,
      %swap3A_66 = vector.shape_cast %swap3A_65 : vector<16xi32> to vector<16xi32>
      %swap3A_67 = vector.shape_cast %add3A_64 : vector<16xi32> to vector<16xi32>
      tpu.vector_store %arg8[%swap3A], %swap3A_67 {strides = array<i32>} : memref<72xi32, #tpu.memory_space<vmem>>, vector<16xi32>,
      %add3A_68 = arith.constant 16 : i32
      %add3A_69 = arith.addi %mul3A_52, %add3A_68 : i32
      %get3A_70 = arith.index_cast %add3A_69 : i32 to index
      %get3A_71 = tpu.vector_load %arg6[%get3A_70] {strides = array<i32>} : memref<1232xi32, #tpu.memory_space<vmem>>, vector<16xi32>,
      %get3A_72 = vector.shape_cast %get3A_71 : vector<16xi32> to vector<16xi32>
      %add3A_73 = arith.constant 16 : i32
      %add3A_74 = arith.addi %mul3A_52, %add3A_73 : i32
      %get3A_75 = arith.index_cast %add3A_74 : i32 to index
      %get3A_76 = tpu.vector_load %arg7[%get3A_75] {strides = array<i32>} : memref<1232xi32, #tpu.memory_space<vmem>>, vector<16xi32>,
      %get3A_77 = vector.shape_cast %get3A_76 : vector<16xi32> to vector<16xi32>
      %mul3A_78 = vector.broadcast %select_n3A : i32 to vector<16xi32>
      %mul3A_79 = arith.muli %mul3A_78, %get3A_77 : vector<16xi32>
      %add3A_80 = arith.addi %get3A_72, %mul3A_79 : vector<16xi32>
      %swap3A_81 = arith.constant 16 : index
      %swap3A_82 = tpu.vector_load %arg8[%swap3A_81] {strides = array<i32>} : memref<72xi32, #tpu.memory_space<vmem>>, vector<16xi32>,
      %swap3A_83 = vector.shape_cast %swap3A_82 : vector<16xi32> to vector<16xi32>
      %swap3A_84 = vector.shape_cast %add3A_80 : vector<16xi32> to vector<16xi32>
      tpu.vector_store %arg8[%swap3A_81], %swap3A_84 {strides = array<i32>} : memref<72xi32, #tpu.memory_space<vmem>>, vector<16xi32>,
      %add3A_85 = arith.constant 32 : i32
      %add3A_86 = arith.addi %mul3A_52, %add3A_85 : i32
      %get3A_87 = arith.index_cast %add3A_86 : i32 to index
      %get3A_88 = tpu.vector_load %arg6[%get3A_87] {strides = array<i32>} : memref<1232xi32, #tpu.memory_space<vmem>>, vector<16xi32>,
      %get3A_89 = vector.shape_cast %get3A_88 : vector<16xi32> to vector<16xi32>
      %add3A_90 = arith.constant 32 : i32
      %add3A_91 = arith.addi %mul3A_52, %add3A_90 : i32
      %get3A_92 = arith.index_cast %add3A_91 : i32 to index
      %get3A_93 = tpu.vector_load %arg7[%get3A_92] {strides = array<i32>} : memref<1232xi32, #tpu.memory_space<vmem>>, vector<16xi32>,
      %get3A_94 = vector.shape_cast %get3A_93 : vector<16xi32> to vector<16xi32>
      %mul3A_95 = vector.broadcast %select_n3A : i32 to vector<16xi32>
      %mul3A_96 = arith.muli %mul3A_95, %get3A_94 : vector<16xi32>
      %add3A_97 = arith.addi %get3A_89, %mul3A_96 : vector<16xi32>
      %swap3A_98 = arith.constant 32 : index
      %swap3A_99 = tpu.vector_load %arg8[%swap3A_98] {strides = array<i32>} : memref<72xi32, #tpu.memory_space<vmem>>, vector<16xi32>,
      %swap3A_100 = vector.shape_cast %swap3A_99 : vector<16xi32> to vector<16xi32>
      %swap3A_101 = vector.shape_cast %add3A_97 : vector<16xi32> to vector<16xi32>
      tpu.vector_store %arg8[%swap3A_98], %swap3A_101 {strides = array<i32>} : memref<72xi32, #tpu.memory_space<vmem>>, vector<16xi32>,
      %add3A_102 = arith.constant 48 : i32
      %add3A_103 = arith.addi %mul3A_52, %add3A_102 : i32
      %get3A_104 = arith.index_cast %add3A_103 : i32 to index
      %get3A_105 = tpu.vector_load %arg6[%get3A_104] {strides = array<i32>} : memref<1232xi32, #tpu.memory_space<vmem>>, vector<16xi32>,
      %get3A_106 = vector.shape_cast %get3A_105 : vector<16xi32> to vector<16xi32>
      %add3A_107 = arith.constant 48 : i32
      %add3A_108 = arith.addi %mul3A_52, %add3A_107 : i32
      %get3A_109 = arith.index_cast %add3A_108 : i32 to index
      %get3A_110 = tpu.vector_load %arg7[%get3A_109] {strides = array<i32>} : memref<1232xi32, #tpu.memory_space<vmem>>, vector<16xi32>,
      %get3A_111 = vector.shape_cast %get3A_110 : vector<16xi32> to vector<16xi32>
      %mul3A_112 = vector.broadcast %select_n3A : i32 to vector<16xi32>
      %mul3A_113 = arith.muli %mul3A_112, %get3A_111 : vector<16xi32>
      %add3A_114 = arith.addi %get3A_106, %mul3A_113 : vector<16xi32>
      %swap3A_115 = arith.constant 48 : index
      %swap3A_116 = tpu.vector_load %arg8[%swap3A_115] {strides = array<i32>} : memref<72xi32, #tpu.memory_space<vmem>>, vector<16xi32>,
      %swap3A_117 = vector.shape_cast %swap3A_116 : vector<16xi32> to vector<16xi32>
      %swap3A_118 = vector.shape_cast %add3A_114 : vector<16xi32> to vector<16xi32>
      tpu.vector_store %arg8[%swap3A_115], %swap3A_118 {strides = array<i32>} : memref<72xi32, #tpu.memory_space<vmem>>, vector<16xi32>,
      %add3A_119 = arith.constant 56 : i32
      %add3A_120 = arith.addi %mul3A_52, %add3A_119 : i32
      %get3A_121 = arith.index_cast %add3A_120 : i32 to index
      %get3A_122 = tpu.vector_load %arg6[%get3A_121] {strides = array<i32>} : memref<1232xi32, #tpu.memory_space<vmem>>, vector<16xi32>,
      %get3A_123 = vector.shape_cast %get3A_122 : vector<16xi32> to vector<16xi32>
      %add3A_124 = arith.constant 56 : i32
      %add3A_125 = arith.addi %mul3A_52, %add3A_124 : i32
      %get3A_126 = arith.index_cast %add3A_125 : i32 to index
      %get3A_127 = tpu.vector_load %arg7[%get3A_126] {strides = array<i32>} : memref<1232xi32, #tpu.memory_space<vmem>>, vector<16xi32>,
      %get3A_128 = vector.shape_cast %get3A_127 : vector<16xi32> to vector<16xi32>
      %mul3A_129 = vector.broadcast %select_n3A : i32 to vector<16xi32>
      %mul3A_130 = arith.muli %mul3A_129, %get3A_128 : vector<16xi32>
      %add3A_131 = arith.addi %get3A_123, %mul3A_130 : vector<16xi32>
      %swap3A_132 = arith.constant 56 : index
      %swap3A_133 = tpu.vector_load %arg8[%swap3A_132] {strides = array<i32>} : memref<72xi32, #tpu.memory_space<vmem>>, vector<16xi32>,
      %swap3A_134 = vector.shape_cast %swap3A_133 : vector<16xi32> to vector<16xi32>
      %swap3A_135 = vector.shape_cast %add3A_131 : vector<16xi32> to vector<16xi32>
      tpu.vector_store %arg8[%swap3A_132], %swap3A_135 {strides = array<i32>} : memref<72xi32, #tpu.memory_space<vmem>>, vector<16xi32>,
      %dma_start3A = arith.constant 0 : i32
      %dma_start3A_136 = arith.constant 0 : i32
      %dma_start3A_137 = tpu.memref_slice %arg4[%dma_start3A, %dma_start3A_136] : memref<6356x512xf32, #tpu.memory_space<hbm>> -> memref<6356x512xf32, #tpu.memory_space<hbm>>
      tpu.enqueue_indirect_dma source(%dma_start3A_137 : memref<6356x512xf32, #tpu.memory_space<hbm>>) target(%arg9 : memref<72x512xf32, #tpu.memory_space<vmem>>) offsets(%arg8 : memref<72xi32, #tpu.memory_space<vmem>>) semaphore(%arg10 : memref<!tpu.dma_semaphore, #tpu.memory_space<semaphore_mem>>)
      %dma_wait3A = arith.constant 0 : i32
      %dma_wait3A_138 = arith.constant 0 : i32
      %dma_wait3A_139 = tpu.memref_slice %arg4[%dma_wait3A, %dma_wait3A_138] : memref<6356x512xf32, #tpu.memory_space<hbm>> -> memref<6356x512xf32, #tpu.memory_space<hbm>>
      tpu.wait_indirect_dma semaphore(%arg10 : memref<!tpu.dma_semaphore, #tpu.memory_space<semaphore_mem>>) src(%dma_wait3A_139 : memref<6356x512xf32, #tpu.memory_space<hbm>>) dst(%arg9 : memref<72x512xf32, #tpu.memory_space<vmem>>)
      "tpu.region"() ({
        %run_scoped3A = tpu.sem_alloc : memref<!tpu.dma_semaphore, #tpu.memory_space<semaphore_mem>>
        %dma_start3A_140 = arith.constant 0 : i32
        %dma_start3A_141 = arith.constant 0 : i32
        %dma_start3A_142 = tpu.memref_slice %arg5[%add3A_18, %dma_start3A_140, %dma_start3A_141] : memref<1600x77x512xf32, #tpu.memory_space<hbm>> -> memref<1x72x512xf32, #tpu.memory_space<hbm>>
        %dma_start3A_143 = tpu.memref_squeeze %dma_start3A_142 : memref<1x72x512xf32, #tpu.memory_space<hbm>> -> memref<72x512xf32, #tpu.memory_space<hbm>>
        %dma_start3A_144 = arith.constant 0 : i32
        %dma_start3A_145 = arith.constant 0 : i32
        %dma_start3A_146 = tpu.memref_slice %arg5[%add3A_18, %dma_start3A_144, %dma_start3A_145] : memref<1600x77x512xf32, #tpu.memory_space<hbm>> -> memref<1x72x512xf32, #tpu.memory_space<hbm>>
        %dma_start3A_147 = tpu.memref_squeeze %dma_start3A_146 : memref<1x72x512xf32, #tpu.memory_space<hbm>> -> memref<72x512xf32, #tpu.memory_space<hbm>>
        tpu.enqueue_dma source(%arg9 : memref<72x512xf32, #tpu.memory_space<vmem>>) target(%dma_start3A_147 : memref<72x512xf32, #tpu.memory_space<hbm>>) target_semaphore(%run_scoped3A : memref<!tpu.dma_semaphore, #tpu.memory_space<semaphore_mem>>)
        %dma_wait3A_148 = arith.constant 0 : i32
        %dma_wait3A_149 = arith.constant 0 : i32
        %dma_wait3A_150 = tpu.memref_slice %arg5[%add3A_18, %dma_wait3A_148, %dma_wait3A_149] : memref<1600x77x512xf32, #tpu.memory_space<hbm>> -> memref<1x72x512xf32, #tpu.memory_space<hbm>>
        %dma_wait3A_151 = tpu.memref_squeeze %dma_wait3A_150 : memref<1x72x512xf32, #tpu.memory_space<hbm>> -> memref<72x512xf32, #tpu.memory_space<hbm>>
        %dma_wait3A_152 = arith.constant 0 : i32
        %dma_wait3A_153 = arith.constant 0 : i32
        %dma_wait3A_154 = tpu.memref_slice %arg5[%add3A_18, %dma_wait3A_152, %dma_wait3A_153] : memref<1600x77x512xf32, #tpu.memory_space<hbm>> -> memref<1x72x512xf32, #tpu.memory_space<hbm>>
        %dma_wait3A_155 = tpu.memref_squeeze %dma_wait3A_154 : memref<1x72x512xf32, #tpu.memory_space<hbm>> -> memref<72x512xf32, #tpu.memory_space<hbm>>
        tpu.wait_dma2 semaphore(%run_scoped3A : memref<!tpu.dma_semaphore, #tpu.memory_space<semaphore_mem>>) src(%arg9 : memref<72x512xf32, #tpu.memory_space<vmem>>) dst(%dma_wait3A_155 : memref<72x512xf32, #tpu.memory_space<hbm>>)
        tpu.yield
      }) : () -> ()
    }
    return
  }
}

module attributes {stable_mosaic.version = 14 : i64} {
  func.func @body(%arg0: memref<100x77xi32, #tpu.memory_space<vmem>>, %arg1: memref<1x77xi32, #tpu.memory_space<vmem>>, %arg2: memref<16x16x512xf32, #tpu.memory_space<vmem>>, %arg3: memref<1x1x512xf32, #tpu.memory_space<vmem>>, %arg4: memref<1x60x512xf32, #tpu.memory_space<vmem>>, %arg5: memref<100x16x77xi32, #tpu.memory_space<vmem>>, %arg6: memref<16x77xi32, #tpu.memory_space<vmem>>, %arg7: memref<16x77x512xf32, #tpu.memory_space<vmem>>) attributes {dimension_semantics = [], scalar_prefetch = 0 : i64, scratch_operands = 0 : i64, tpu.core_type = #tpu.core_type<tc>} {
    %get3A = arith.constant 0 : index
    %get3A_0 = arith.constant 0 : index
    %get3A_1 = vector.load %arg0[%get3A, %get3A_0] : memref<100x77xi32, #tpu.memory_space<vmem>>, vector<100x77xi32>
    %broadcast_in_dim3A = vector.shape_cast %get3A_1 : vector<100x77xi32> to vector<100x1x77xi32>
    %broadcast_in_dim3A_2 = vector.shape_cast %broadcast_in_dim3A : vector<100x1x77xi32> to vector<100x1x77xi32>
    %broadcast_in_dim3A_3 = vector.broadcast %broadcast_in_dim3A_2 : vector<100x1x77xi32> to vector<100x16x77xi32>
    %swap3A = arith.constant 0 : index
    %swap3A_4 = arith.constant 0 : index
    %swap3A_5 = arith.constant 0 : index
    %swap3A_6 = vector.load %arg5[%swap3A, %swap3A_4, %swap3A_5] : memref<100x16x77xi32, #tpu.memory_space<vmem>>, vector<100x16x77xi32>
    tpu.vector_store %arg5[%swap3A, %swap3A_4, %swap3A_5], %broadcast_in_dim3A_3 {strides = array<i32>} : memref<100x16x77xi32, #tpu.memory_space<vmem>>, vector<100x16x77xi32>,
    %get3A_7 = arith.constant 0 : index
    %get3A_8 = arith.constant 0 : index
    %get3A_9 = vector.load %arg1[%get3A_7, %get3A_8] : memref<1x77xi32, #tpu.memory_space<vmem>>, vector<1x77xi32>
    %broadcast_in_dim3A_10 = vector.shape_cast %get3A_9 : vector<1x77xi32> to vector<1x77xi32>
    %broadcast_in_dim3A_11 = vector.broadcast %broadcast_in_dim3A_10 : vector<1x77xi32> to vector<16x77xi32>
    %swap3A_12 = arith.constant 0 : index
    %swap3A_13 = arith.constant 0 : index
    %swap3A_14 = vector.load %arg6[%swap3A_12, %swap3A_13] : memref<16x77xi32, #tpu.memory_space<vmem>>, vector<16x77xi32>
    tpu.vector_store %arg6[%swap3A_12, %swap3A_13], %broadcast_in_dim3A_11 {strides = array<i32>} : memref<16x77xi32, #tpu.memory_space<vmem>>, vector<16x77xi32>,
    %get3A_15 = arith.constant 0 : index
    %get3A_16 = arith.constant 0 : index
    %get3A_17 = arith.constant 0 : index
    %get3A_18 = vector.load %arg3[%get3A_15, %get3A_16, %get3A_17] : memref<1x1x512xf32, #tpu.memory_space<vmem>>, vector<1x1x512xf32>
    %broadcast_in_dim3A_19 = vector.shape_cast %get3A_18 : vector<1x1x512xf32> to vector<1x1x512xf32>
    %broadcast_in_dim3A_20 = vector.broadcast %broadcast_in_dim3A_19 : vector<1x1x512xf32> to vector<16x1x512xf32>
    %swap3A_21 = arith.constant 0 : index
    %swap3A_22 = arith.constant 0 : index
    %swap3A_23 = arith.constant 0 : index
    %swap3A_24 = vector.load %arg7[%swap3A_21, %swap3A_22, %swap3A_23] : memref<16x77x512xf32, #tpu.memory_space<vmem>>, vector<16x1x512xf32>
    tpu.vector_store %arg7[%swap3A_21, %swap3A_22, %swap3A_23], %broadcast_in_dim3A_20 {strides = array<i32>} : memref<16x77x512xf32, #tpu.memory_space<vmem>>, vector<16x1x512xf32>,
    %get3A_25 = arith.constant 0 : index
    %get3A_26 = arith.constant 0 : index
    %get3A_27 = arith.constant 0 : index
    %get3A_28 = vector.load %arg2[%get3A_25, %get3A_26, %get3A_27] : memref<16x16x512xf32, #tpu.memory_space<vmem>>, vector<16x16x512xf32>
    %swap3A_29 = arith.constant 0 : index
    %swap3A_30 = arith.constant 1 : index
    %swap3A_31 = arith.constant 0 : index
    %swap3A_32 = vector.load %arg7[%swap3A_29, %swap3A_30, %swap3A_31] : memref<16x77x512xf32, #tpu.memory_space<vmem>>, vector<16x16x512xf32>
    tpu.vector_store %arg7[%swap3A_29, %swap3A_30, %swap3A_31], %get3A_28 {strides = array<i32>} : memref<16x77x512xf32, #tpu.memory_space<vmem>>, vector<16x16x512xf32>,
    %get3A_33 = arith.constant 0 : index
    %get3A_34 = arith.constant 0 : index
    %get3A_35 = arith.constant 0 : index
    %get3A_36 = vector.load %arg4[%get3A_33, %get3A_34, %get3A_35] : memref<1x60x512xf32, #tpu.memory_space<vmem>>, vector<1x60x512xf32>
    %broadcast_in_dim3A_37 = vector.shape_cast %get3A_36 : vector<1x60x512xf32> to vector<1x60x512xf32>
    %broadcast_in_dim3A_38 = vector.broadcast %broadcast_in_dim3A_37 : vector<1x60x512xf32> to vector<16x60x512xf32>
    %swap3A_39 = arith.constant 0 : index
    %swap3A_40 = arith.constant 17 : index
    %swap3A_41 = arith.constant 0 : index
    %swap3A_42 = vector.load %arg7[%swap3A_39, %swap3A_40, %swap3A_41] : memref<16x77x512xf32, #tpu.memory_space<vmem>>, vector<16x60x512xf32>
    tpu.vector_store %arg7[%swap3A_39, %swap3A_40, %swap3A_41], %broadcast_in_dim3A_38 {strides = array<i32>} : memref<16x77x512xf32, #tpu.memory_space<vmem>>, vector<16x60x512xf32>,
    return
  }
}

module attributes {stable_mosaic.version = 14 : i64} {
  func.func @body(%arg0: i32, %arg1: memref<1600x77x512xf32, #tpu.memory_space<hbm>>, %arg2: memref<1x60x512xf32, #tpu.memory_space<vmem>>, %arg3: memref<16x8x512xf32, #tpu.memory_space<vmem>>) attributes {dimension_semantics = [#tpu.dimension_semantics<arbitrary>], iteration_bounds = array<i64: 100>, scalar_prefetch = 0 : i64, scratch_operands = 0 : i64, tpu.core_type = #tpu.core_type<tc>, window_params = [{}, {transform_indices = @transform_1, window_bounds = array<i64: 1, 60, 512>}, {transform_indices = @transform_2, window_bounds = array<i64: 16, 8, 512>}]} {
    %get3A = arith.constant 0 : index
    %get3A_0 = arith.constant 0 : index
    %get3A_1 = arith.constant 0 : index
    %get3A_2 = vector.load %arg2[%get3A, %get3A_0, %get3A_1] : memref<1x60x512xf32, #tpu.memory_space<vmem>>, vector<1x60x512xf32>
    %get3A_3 = vector.shape_cast %get3A_2 : vector<1x60x512xf32> to vector<60x512xf32>
    %slice3A = vector.extract_strided_slice %get3A_3 {offsets = [55, 0], sizes = [5, 512], strides = [1, 1]} : vector<60x512xf32> to vector<5x512xf32>
    %slice3A_4 = vector.extract_strided_slice %get3A_3 {offsets = [55, 0], sizes = [3, 512], strides = [1, 1]} : vector<60x512xf32> to vector<3x512xf32>
    %concatenate3A = tpu.concatenate %slice3A, %slice3A_4 in 0 : vector<5x512xf32>, vector<3x512xf32> -> vector<8x512xf32>
    %broadcast_in_dim3A = vector.shape_cast %concatenate3A : vector<8x512xf32> to vector<1x8x512xf32>
    %broadcast_in_dim3A_5 = vector.shape_cast %broadcast_in_dim3A : vector<1x8x512xf32> to vector<1x8x512xf32>
    %broadcast_in_dim3A_6 = vector.broadcast %broadcast_in_dim3A_5 : vector<1x8x512xf32> to vector<16x8x512xf32>
    %swap3A = arith.constant 0 : index
    %swap3A_7 = arith.constant 0 : index
    %swap3A_8 = arith.constant 0 : index
    %swap3A_9 = vector.load %arg3[%swap3A, %swap3A_7, %swap3A_8] : memref<16x8x512xf32, #tpu.memory_space<vmem>>, vector<16x8x512xf32>
    tpu.vector_store %arg3[%swap3A, %swap3A_7, %swap3A_8], %broadcast_in_dim3A_6 {strides = array<i32>} : memref<16x8x512xf32, #tpu.memory_space<vmem>>, vector<16x8x512xf32>,
    return
  }
  func.func @transform_1(%arg0: i32) -> (i32, i32, i32) {
    %c0_i32 = arith.constant 0 : i32
    %c0_i32_0 = arith.constant 0 : i32
    %c0_i32_1 = arith.constant 0 : i32
    return %arg0, %c0_i32, %c0_i32_0 : i32, i32, i32
  }
  func.func @transform_2(%arg0: i32) -> (i32, i32, i32) {
    %c9_i32 = arith.constant 9 : i32
    %c0_i32 = arith.constant 0 : i32
    %c0_i32_0 = arith.constant 0 : i32
    return %arg0, %c9_i32, %c0_i32 : i32, i32, i32
  }
}

</mosaic_0001>

<sc_bundles>
// kernel: kernel.5.cloned.1.call-start
scs
__scs_entry_jumppad:
0x0: {  	(pc) =	sbr.rel $0x88, $3  }
0x1: {  	(tag) =	ssettag $0x0;
	lr =	simm.s32 $0x1  }
0x2: {  	[smem:$0x3F99] =	sst lr;
	_ =	strace $0xD0000000  }
0x3: {  	_ = 	snop  }
0x4: {  	_ = 	snop  }
0x5: {  	_ = 	snop  }
0x6: {  	_ = 	snop  }
0x7: {  	_ = 	snop  }
__scs_overlays_trampoline_lowered:
0x8: {  	[smem:$0x3FA8] =	sst s0  }
0x9: {  	[smem:$0x3FA9] =	sst s1  }
0xa: {  	[smem:$0x3FAA] =	sst s2  }
0xb: {  	[smem:$0x3FAB] =	sst s3  }
0xc: {  	[smem:$0x3FAC] =	sst s4  }
0xd: {  	[smem:$0x3FAD] =	sst s5  }
0xe: {  	[smem:$0x3FAE] =	sst s6  }
0xf: {  	[smem:$0x3FAF] =	sst s7  }
0x10: {  	[smem:$0x3FB0] =	sst s8  }
0x11: {  	[smem:$0x3FB1] =	sst s9;
	s0 =	simm.s32 @!p0 $0x0  }
0x12: {  	s1 =	sld [smem:$0x3F97];
	s0 =	simm.s32 @p0 $0x1  }
0x13: {  	[smem:$0x3FB2] =	sst s0;
	s0 =	simm.s32 @!p1 $0x0  }
0x14: {  	s2 =	sld [smem:$0x3F96];
	s0 =	simm.s32 @p1 $0x1  }
0x15: {  	[smem:$0x3FB3] =	sst s0;
	s0 =	simm.s32 @!p2 $0x0  }
0x16: {  	s3 =	sld [smem:$0x3FDB];
	s0 =	simm.s32 @p2 $0x1  }
0x17: {  	s4 =	simm.s32 $0x1BF5;
	[smem:$0x3FB5] =	sst s0  }
0x18: {  	s0 =	sld [smem:$0x3F98];
	_ =	swait.ge [sflag:s4], $0x0  }
0x19: {  	s7 =	sld [smem:$0x3F99]  }
0x1a: {  	s8 =	sadd.s32 $0xFFFFE003, lr  }
0x1b: {  	s9 =	sadd.s32 $0xFFFFFEF7, lr;
	s5 =	simm.s32 $0xFFFFFFFF;
	p2 =	slt.u32 s8, $0xFFFFF086  }
0x1c: {  	p1 =	slt.u32 s9, $0xF7A;
	s5 =	simm.s32 @!p2 $0x0  }
0x1d: {  	s5 =	simm.s32 @p1 $0x1;
	p0 =	seq.s32 s7, s2  }
0x1e: {  	s7 =	smul.u32 @!p0 $0xF7A, s2;
	p2 =	seq.s32 @!p0 s5, $0x0  }
0x1f: {  	s9 =	smul.u32 $0xF7A, s1;
	s8 =	simm.s32 @!p0 $0x1BF5;
	p2 =	por !p2, p0  }
0x20: {  	[sflag:s8] =	ssyncset.s32 @!p0 $0xFFFFF086;
	s6 =	sadd.s32 @!p0 s3, s7;
	s7 =	simm.s32 @!p0 $0x108  }
0x21: {  	s3 =	sadd.s32 s3, s9;
	s6 =	sadd.s32 @!p0 $0x88, s6;
	s7 =	simm.s32 @p2 $0x1082  }
0x22: {  	[simem:s7], [sflag:s8] =	dma.local @!p0 [hbm:s6], $0xF7A  }
0x23: {  	s9 =	sor.u32 $0xD0000000, s2;
	s6 =	simm.s32 $0x108;
	_ =	swait.ge @!p0 [sflag:s8], $0x0  }
0x24: {  	s3 =	sadd.s32 $0x88, s3;
	s6 =	simm.s32 @!p1 $0x1082;
	[sflag:s4] =	ssyncset.s32 $0xFFFFF086  }
0x25: {  	[simem:s6], [sflag:s4] =	dma.local [hbm:s3], $0xF7A  }
0x26: {  	[smem:$0x3F99] =	sst s1;
	(tag) =	ssettag s2;
	_ =	strace s9  }
0x27: {  	s1 =	sld [smem:$0x3FA9]  }
0x28: {  	s2 =	sld [smem:$0x3FAA]  }
0x29: {  	s4 =	sld [smem:$0x3FAC]  }
0x2a: {  	p0 =	seq.s32 s5, $0x0;
	s5 =	sld [smem:$0x3FAD]  }
0x2b: {  	s6 =	sld [smem:$0x3FAE]  }
0x2c: {  	s7 =	sld [smem:$0x3FAF]  }
0x2d: {  	s3 =	simm.s32 $0x108;
	s8 =	sld [smem:$0x3FB0]  }
0x2e: {  	s3 =	simm.s32 @!p0 $0x1082;
	s9 =	sld [smem:$0x3FB1]  }
0x2f: {  	lr =	sadd.s32 s0, s3;
	s0 =	sld [smem:$0x3FA8]  }
0x30: {  	s3 =	sld [smem:$0x3FAB]  }
0x31: {  	[smem:$0x3FB4] =	sst s10  }
0x32: {  	s10 =	sld [smem:$0x3FB2];
	_ =	sdelay $0x3  }
0x33: {  	p0 =	seq.s32 s10, $0x1;
	s10 =	sld [smem:$0x3FB4];
	_ =	sdelay $0x3  }
0x34: {  	[smem:$0x3FB4] =	sst s10  }
0x35: {  	s10 =	sld [smem:$0x3FB3];
	_ =	sdelay $0x3  }
0x36: {  	p1 =	seq.s32 s10, $0x1;
	s10 =	sld [smem:$0x3FB4];
	_ =	sdelay $0x3  }
0x37: {  	[smem:$0x3FB4] =	sst s10  }
0x38: {  	s10 =	sld [smem:$0x3FB5]  }
0x39: {  	_ = 	snop;
	(pc) =	sbr.ind lr, $3  }
0x3a: {  	_ = 	snop  }
0x3b: {  	_ = 	snop  }
0x3c: {  	p2 =	seq.s32 s10, $0x1;
	s10 =	sld [smem:$0x3FB4]  }
0x3d: {  	_ =	shalt  }
0x3e: {  	_ =	shalt  }
0x3f: {  	_ =	shalt  }
0x40: {  	_ =	shalt  }
0x41: {  	_ =	shalt  }
0x42: {  	_ =	shalt  }
0x43: {  	_ =	shalt  }
0x44: {  	_ =	shalt  }
0x45: {  	_ =	shalt  }
0x46: {  	_ =	shalt  }
0x47: {  	_ =	shalt  }
0x48: {  	_ =	shalt  }
0x49: {  	_ =	shalt  }
0x4a: {  	_ =	shalt  }
0x4b: {  	_ =	shalt  }
0x4c: {  	_ =	shalt  }
0x4d: {  	_ =	shalt  }
0x4e: {  	_ =	shalt  }
0x4f: {  	_ =	shalt  }
0x50: {  	_ =	shalt  }
0x51: {  	_ =	shalt  }
0x52: {  	_ =	shalt  }
0x53: {  	_ =	shalt  }
0x54: {  	_ =	shalt  }
0x55: {  	_ =	shalt  }
0x56: {  	_ =	shalt  }
0x57: {  	_ =	shalt  }
0x58: {  	_ =	shalt  }
0x59: {  	_ =	shalt  }
0x5a: {  	_ =	shalt  }
0x5b: {  	_ =	shalt  }
0x5c: {  	_ =	shalt  }
0x5d: {  	_ =	shalt  }
0x5e: {  	_ =	shalt  }
0x5f: {  	_ =	shalt  }
0x60: {  	_ =	shalt  }
0x61: {  	_ =	shalt  }
0x62: {  	_ =	shalt  }
0x63: {  	_ =	shalt  }
0x64: {  	_ =	shalt  }
0x65: {  	_ =	shalt  }
0x66: {  	_ =	shalt  }
0x67: {  	_ =	shalt  }
0x68: {  	_ =	shalt  }
0x69: {  	_ =	shalt  }
0x6a: {  	_ =	shalt  }
0x6b: {  	_ =	shalt  }
0x6c: {  	_ =	shalt  }
0x6d: {  	_ =	shalt  }
0x6e: {  	_ =	shalt  }
0x6f: {  	_ =	shalt  }
0x70: {  	_ =	shalt  }
0x71: {  	_ =	shalt  }
0x72: {  	_ =	shalt  }
0x73: {  	_ =	shalt  }
0x74: {  	_ =	shalt  }
0x75: {  	_ =	shalt  }
0x76: {  	_ =	shalt  }
0x77: {  	_ =	shalt  }
0x78: {  	_ =	shalt  }
0x79: {  	_ =	shalt  }
0x7a: {  	_ =	shalt  }
0x7b: {  	_ =	shalt  }
0x7c: {  	_ =	shalt  }
0x7d: {  	_ =	shalt  }
0x7e: {  	_ =	shalt  }
0x7f: {  	_ =	shalt  }
0x80: {  	_ =	shalt  }
0x81: {  	_ =	shalt  }
0x82: {  	_ =	shalt  }
0x83: {  	_ =	shalt  }
0x84: {  	_ =	shalt  }
0x85: {  	_ =	shalt  }
0x86: {  	_ =	shalt  }
0x87: {  	_ =	shalt  }
.Lfunc_end0:
.L_simem_size_0:
called_computation_lowered:
.L_overlay_start_0:
0x88: {  	s2 =	sld [smem:$0x3FD9]  }
0x89: {  	s3 =	sld [smem:$0x3FFE];
	_ =	sdelay $0x1  }
0x8a: {  	s1 =	srdreg.scid  }
0x8b: {  	s0 =	sand.u32 $0x1, s1  }
0x8c: {  	s14 =	sshll.u32 s0, $0xA;
	s2 =	sadd.s32 s3, s2  }
0x8d: {  	s2 =	sadd.s32 s2, s14  }
0x8e: {  	[smem:$0x3FC0] =	sst s2  }
0x8f: {  	_ = 	snop  }
0x90: {  	s2 =	sld [smem:$0x3FD0];
	_ =	sdelay $0x2  }
0x91: {  	s15 =	simm.s32 $0xA;
	s4 =	simm.s32 $0x10  }
0x92: {  	[smem:s4], [sflag:s15] =	dma.local [hbm:s2], $0x1  }
0x93: {  	_ =	swait.eq [sflag:s15], $0x1  }
0x94: {  	[sflag:s15] =	ssyncset.done $0x0  }
0x95: {  	[sflag:s15] =	ssyncadd.s32 $0xFFFFFFFF  }
0x96: {  	s16 =	sld [smem:$0x10];
	(tm) =	ssettm $0x1  }
0x97: {  	s17 =	sld [smem:$0x3FFB];
	_ =	sdelay $0x3  }
0x98: {  	_ =	strace s17  }
0x99: {  	s3 =	sld [smem:$0x3FFC];
	_ =	sdelay $0x3  }
0x9a: {  	_ =	strace s3  }
0x9b: {  	s3 =	sld [smem:$0x3FFD];
	_ =	sdelay $0x3  }
0x9c: {  	_ =	strace s3  }
0x9d: {  	_ =	strace $0x8FFFFFFF  }
0x9e: {  	s18 =	sld [smem:$0x3FDB];
	_ =	sdelay $0x1  }
0x9f: {  	s19 =	simm.s32 $_scs_section_size  }
0xa0: {  	s5 =	simm.s32 $_size__tile_overlayer_lowered;
	s6 =	simm.s32 $_tile_overlayer_lowered  }
0xa1: {  	s22 =	simm.s32 $0x1BFF;
	s21 =	sshll.u32 s6, $0x1;
	s3 =	sadd.s32 s19, s18  }
0xa2: {  	s7 =	simm.s32 $0x0;
	s20 =	sshll.u32 s5, $0x1;
	s5 =	sadd.s32 s21, s3  }
0xa3: {  	[timem:s7], [sflag:s22] =	dma.local [hbm:s5], s20  }
0xa4: {  	_ =	swait.ge [sflag:s22], s20  }
0xa5: {  	s4 =	ssub.s32 $0x0, s20;
	[sflag:s22] =	ssyncset.done $0x0  }
0xa6: {  	[sflag:s22] =	ssyncadd.s32 s4;
	_ =	sdelay $0x1  }
0xa7: {  	s23 =	simm.s32 $0x1B8B  }
0xa8: {  	_ =	swait.ge [sflag:s23], $0x1  }
0xa9: {  	[sflag:s23] =	ssyncset.done $0x0  }
0xaa: {  	s25 =	simm.s32 $0x1B8E;
	s24 =	sld [smem:$0x3FFE];
	[sflag:s23] =	ssyncadd.s32 $0xFFFFFFFF  }
0xab: {  	s26 =	simm.s32 $execute0_lowered;
	[smem:$0x3FD2] =	sst s25  }
0xac: {  	s5 =	sshll.u32 s26, $0x1;
	_ =	strace $0x80000046;
	[dreg:$0x1] =	wrdreg $0xFFFFFFFF  }
0xad: {  	s28 =	simm.s32 $_size_execute0_lowered;
	s3 =	sadd.s32 s3, s5;
	[dreg:$0x0] =	wrdreg $0x0  }
0xae: {  	s5 =	sshll.u32 s28, $0x1;
	[dreg:$0x2] =	wrdreg s3  }
0xaf: {  	[dreg:$0x3] =	wrdreg s5  }
0xb0: {  	[dreg:$0x4] =	wrdreg $0xC0  }
0xb1: {  	_ =	task [dreg:s7], $0x5FFFF  }
0xb2: {  	[dreg:$0x1] =	wrdreg $0xFFFFFFFF  }
0xb3: {  	[dreg:$0x0] =	wrdreg $0x60  }
0xb4: {  	[dreg:$0x2] =	wrdreg s24  }
0xb5: {  	[dreg:$0x3] =	wrdreg s16  }
0xb6: {  	[dreg:$0x4] =	wrdreg $0x9  }
0xb7: {  	_ =	task.clear_ibuf [dreg:s7], $0x5FFFF;
	_ =	strace $0x90000046  }
0xb8: {  	s29 =	simm.s32 $0x9;
	_ =	strace $0x80000048  }
0xb9: {  	_ =	swait.ge [sflag:s29], $0x1  }
0xba: {  	[sflag:s29] =	ssyncadd.s32 $0xFFFFFFFF  }
0xbb: {  	_ =	strace $0x90000048  }
0xbc: {  	_ =	sfence  }
0xbd: {  	s30 =	sld [smem:$0x0];
	_ =	sdelay $0x2  }
0xbe: {  	s31 =	sshll.u32 s1, $0xD;
	s1 =	sshrl.u32 s1, $0x2  }
0xbf: {  	s3 =	sand.u32 $0x4000, s31;
	s1 =	sadd.s32 s1, s30  }
0xc0: {  	s0 =	sor.u32 s3, s0;
	s1 =	sshll.u32 s1, $0x11  }
0xc1: {  	s0 =	sor.u32 s1, s0  }
0xc2: {  	s0 =	sadd.s32 $0x8F2B, s0  }
0xc3: {  	[sflag:s0] =	ssyncadd.remote.s32 $0x1  }
0xc4: {  	_ =	sfence.sel $0xFFFF  }
0xc5: {  	[dreg:$0x0] =	wrdreg $0xFFFFFFFF;
	(pc) =	sbr.abs _section_cstart, $3  }
0xc6: {  	[dreg:$0x1] =	wrdreg $0xFFFFFFFF  }
0xc7: {  	_ =	task.clear_ibuf [dreg:s7], $0x2FFFF;
	_ =	strace $0x9FFFFFFF  }
0xc8: {  	(tm) =	ssettm $0x7FFFFFFF  }
0xc9: {  	_ =	shalt  }
tec
execute0_lowered:
.L_overlay_start_1:
0x0: {  	(tag) =	ssettag $0x1  }
0x1: {  	s0 =	rddreg [dreg:$0x0]  }
0x2: {  	s1 =	rddreg [dreg:$0x1];
	s3 =	simm.s32 $0x0  }
0x3: {  	s2 =	srdreg.scid;
	s5 =	stileid.u32;
	s12 =	simm.s32 $0xA80  }
0x4: {  	s13 =	simm.s32 $0x1280;
	s14 =	simm.s32 $0x1A80;
	s15 =	simm.s32 $0x2280  }
0x5: {  	s16 =	simm.s32 $0x2A80;
	s17 =	simm.s32 $0x3280;
	s18 =	simm.s32 $0x3A80  }
0x6: {  	s19 =	simm.s32 $0x4280;
	s20 =	simm.s32 $0x4A80;
	s21 =	simm.s32 $0x5280  }
0x7: {  	s22 =	simm.s32 $0x5A80;
	s23 =	simm.s32 $0x6280;
	s28 =	simm.s32 $0x8280  }
0x8: {  	s29 =	simm.s32 $0x8A80;
	s30 =	simm.s32 $0x9280;
	s31 =	simm.s32 $0x1  }
0x9: {  	[smem:$0x7FF] =	sst s3;
	s2 =	sand.u32 $0x1, s2;
	s4 =	smul.u32 $0x2800, s5  }
0xa: {  	s7 =	sadd.s32 $0xA00, s0;
	s24 =	sadd.s32 $0xC00, s0;
	s9 =	sshll.u32 s5, $0x1  }
0xb: {  	s10 =	sshrl.u32 s5, $0x3;
	_ =	strace $0x80000047;
	[dreg:$0x4] =	wrdreg s7  }
0xc: {  	s6 =	ssub.s32 $0x2, s2;
	[dreg:$0x5] =	wrdreg s24;
	s8 =	smul.u32 $0x1400, s2  }
0xd: {  	[dreg:$0x3] =	wrdreg s10;
	s2 =	sor.u32 s2, s9;
	s10 =	simm.s32 $0x2  }
0xe: {  	s24 =	simm.s32 $0x6A80;
	s25 =	sshrl.u32 s6, $0x1;
	s0 =	sadd.s32 s4, s0  }
0xf: {  	v2 =	vlaneseq.u32;
	s26 =	ssub.s32 s6, s25;
	s6 =	sadd.s32 $0x100, s1;
	s0 =	sadd.s32 s8, s0  }
0x10: {  	vm0 =	vmmov $0xffff;
	v1 =	vshrl.u32 v2, $0x3;
	s25 =	simm.s32 $0x7280;
	s4 =	smax.u32 s26, $0x1;
	s11 =	sadd.s32 $0xE00, s0  }
0x11: {  	v0 =	vand.u32 $0x7, v2;
	v2 =	vor.u32 $0x8, v2;
	v1 =	vmul.u32 $0x8, v1;
	s26 =	simm.s32 $0x7A80;
	s0 =	simm.s32 $0x0;
	[dreg:$0x6] =	wrdreg s4  }
.LBB2_1:
0x12: {  	s4 =	rddreg [dreg:$0x4]  }
0x13: {  	[tilespmem:s3], [sflag:$0x2] =	stream.linear.gather [hbm4b:s4+s3], $0x500, $0x38;
	[tilespmem:$0x9A80] =	vst v63  }
0x14: {  	_ =	swait.ge [sflag:s10], $0x500  }
0x15: {  	[sflag:s10] =	ssyncset.done $0x0  }
0x16: {  	s5 =	simm.s32 $0x500;
	s9 =	rddreg [dreg:$0x5];
	[sflag:s10] =	ssyncadd.s32 $0xFFFFFB00  }
0x17: {  	[tilespmem:s5], [sflag:$0x2] =	stream.linear.gather [hbm4b:s9+s3], $0x500, $0x38;
	[tilespmem:$0x9A80] =	vst v63  }
0x18: {  	_ =	swait.ge [sflag:s10], $0x500  }
0x19: {  	s8 =	smov.u32 s11;
	[sflag:s10] =	ssyncset.done $0x0  }
0x1a: {  	s4 =	simm.s32 $0x0;
	s9 =	smov.u32 s2;
	[sflag:s10] =	ssyncadd.s32 $0xFFFFFB00  }
.LBB2_2:
0x1b: {  	s5 =	sand.u32 $0xF, s9  }
0x1c: {  	s5 =	smul.u32 $0x4D, s5;
	_ =	sdelay $0x1  }
0x1d: {  	v3 =	vld [tilespmem:s5+$0x500];
	_ =	sdelay $0x1  }
0x1e: {  	v4 =	vld [tilespmem:s5+$0x0]  }
0x1f: {  	s7 =	rddreg [dreg:$0x3]  }
0x20: {  	s7 =	sadd.s32 s4, s7  }
0x21: {  	v3 =	vmul.u32 s7, v3;
	_ =	sdelay $0x1  }
0x22: {  	v3 =	vadd.s32 v4, v3  }
0x23: {  	[tilespmem:$0xA00] =	vst v3  }
0x24: {  	v54 =	vld [tilespmem:s5+$0x510];
	_ =	sdelay $0x1  }
0x25: {  	v5 =	vld [tilespmem:s5+$0x10];
	_ =	sdelay $0x2  }
0x26: {  	v4 =	vmul.u32 s7, v54;
	_ =	sdelay $0x1  }
0x27: {  	v4 =	vadd.s32 v5, v4  }
0x28: {  	[tilespmem:$0xA10] =	vst v4  }
0x29: {  	v4 =	vld [tilespmem:s5+$0x520];
	_ =	sdelay $0x1  }
0x2a: {  	v55 =	vld [tilespmem:s5+$0x20];
	_ =	sdelay $0x2  }
0x2b: {  	v4 =	vmul.u32 s7, v4;
	_ =	sdelay $0x1  }
0x2c: {  	v4 =	vadd.s32 v55, v4  }
0x2d: {  	[tilespmem:$0xA20] =	vst v4  }
0x2e: {  	v4 =	vld [tilespmem:s5+$0x530];
	_ =	sdelay $0x1  }
0x2f: {  	v56 =	vld [tilespmem:s5+$0x30];
	_ =	sdelay $0x2  }
0x30: {  	v4 =	vmul.u32 s7, v4;
	_ =	sdelay $0x1  }
0x31: {  	v4 =	vadd.s32 v56, v4  }
0x32: {  	v57 =	vshll.u32 v3, $0x2;
	[tilespmem:$0xA30] =	vst v4  }
0x33: {  	v3 =	vand.u32 $0x7, v3;
	v4 =	vand.u32 $0xFFFFFFE0, v57;
	v58 =	vld [tilespmem:s5+$0x538]  }
0x34: {  	v3 =	vor.u32 v3, v4  }
0x35: {  	v59 =	vld [tilespmem:s5+$0x38];
	v6 =	vperm.xlane v3, v0;
	_ =	sdelay $0x1  }
0x36: {  	v6 =	vadd.s32 v1, v6  }
0x37: {  	v5 =	vmul.u32 s7, v58  }
0x38: {  	v3 =	vperm.xlane v3, v2  }
0x39: {  	v4 =	vadd.s32 v59, v5  }
0x3a: {  	v3 =	vadd.s32 v1, v3;
	[tilespmem:$0xA38] =	vst v4  }
0x3b: {  	[tilespmem:s12], [sflag:$0x1] =	stream.indirect_vreg.gather [hbm4b:s1+s3], $0x80, v6, vm0, $0xb8;
	[tilespmem:$0x9A80] =	vst v63  }
0x3c: {  	_ = 	snop  }
0x3d: {  	[tilespmem:s13], [sflag:$0x1] =	stream.indirect_vreg.gather [hbm4b:s6+s3], $0x80, v6, vm0, $0xb8;
	[tilespmem:$0x9A80] =	vst v63  }
0x3e: {  	_ = 	snop  }
0x3f: {  	[tilespmem:s14], [sflag:$0x1] =	stream.indirect_vreg.gather [hbm4b:s1+s3], $0x80, v3, vm0, $0xb8;
	[tilespmem:$0x9A80] =	vst v63  }
0x40: {  	_ = 	snop  }
0x41: {  	[tilespmem:s15], [sflag:$0x1] =	stream.indirect_vreg.gather [hbm4b:s6+s3], $0x80, v3, vm0, $0xb8;
	[tilespmem:$0x9A80] =	vst v63  }
0x42: {  	v3 =	vld [tilespmem:$0xA10];
	_ =	sdelay $0x4  }
0x43: {  	v60 =	vshll.u32 v3, $0x2  }
0x44: {  	v3 =	vand.u32 $0x7, v3;
	v4 =	vand.u32 $0xFFFFFFE0, v60  }
0x45: {  	v3 =	vor.u32 v3, v4  }
0x46: {  	v4 =	vperm.xlane v3, v0;
	_ =	sdelay $0x1  }
0x47: {  	v4 =	vadd.s32 v1, v4;
	_ =	sdelay $0x1  }
0x48: {  	v3 =	vperm.xlane v3, v2;
	_ =	sdelay $0x1  }
0x49: {  	v3 =	vadd.s32 v1, v3  }
0x4a: {  	[tilespmem:s16], [sflag:$0x1] =	stream.indirect_vreg.gather [hbm4b:s1+s3], $0x80, v4, vm0, $0xb8;
	[tilespmem:$0x9A80] =	vst v63  }
0x4b: {  	_ = 	snop  }
0x4c: {  	[tilespmem:s17], [sflag:$0x1] =	stream.indirect_vreg.gather [hbm4b:s6+s3], $0x80, v4, vm0, $0xb8;
	[tilespmem:$0x9A80] =	vst v63  }
0x4d: {  	_ = 	snop  }
0x4e: {  	[tilespmem:s18], [sflag:$0x1] =	stream.indirect_vreg.gather [hbm4b:s1+s3], $0x80, v3, vm0, $0xb8;
	[tilespmem:$0x9A80] =	vst v63  }
0x4f: {  	_ = 	snop  }
0x50: {  	[tilespmem:s19], [sflag:$0x1] =	stream.indirect_vreg.gather [hbm4b:s6+s3], $0x80, v3, vm0, $0xb8;
	[tilespmem:$0x9A80] =	vst v63  }
0x51: {  	v3 =	vld [tilespmem:$0xA20];
	_ =	sdelay $0x4  }
0x52: {  	v61 =	vshll.u32 v3, $0x2  }
0x53: {  	v3 =	vand.u32 $0x7, v3;
	v4 =	vand.u32 $0xFFFFFFE0, v61  }
0x54: {  	v3 =	vor.u32 v3, v4  }
0x55: {  	v4 =	vperm.xlane v3, v0;
	_ =	sdelay $0x1  }
0x56: {  	v4 =	vadd.s32 v1, v4;
	_ =	sdelay $0x1  }
0x57: {  	v3 =	vperm.xlane v3, v2;
	_ =	sdelay $0x1  }
0x58: {  	v3 =	vadd.s32 v1, v3  }
0x59: {  	[tilespmem:s20], [sflag:$0x1] =	stream.indirect_vreg.gather [hbm4b:s1+s3], $0x80, v4, vm0, $0xb8;
	[tilespmem:$0x9A80] =	vst v63  }
0x5a: {  	_ = 	snop  }
0x5b: {  	[tilespmem:s21], [sflag:$0x1] =	stream.indirect_vreg.gather [hbm4b:s6+s3], $0x80, v4, vm0, $0xb8;
	[tilespmem:$0x9A80] =	vst v63  }
0x5c: {  	_ = 	snop  }
0x5d: {  	[tilespmem:s22], [sflag:$0x1] =	stream.indirect_vreg.gather [hbm4b:s1+s3], $0x80, v3, vm0, $0xb8;
	[tilespmem:$0x9A80] =	vst v63  }
0x5e: {  	_ = 	snop  }
0x5f: {  	[tilespmem:s23], [sflag:$0x1] =	stream.indirect_vreg.gather [hbm4b:s6+s3], $0x80, v3, vm0, $0xb8;
	[tilespmem:$0x9A80] =	vst v63  }
0x60: {  	v3 =	vld [tilespmem:$0xA30];
	_ =	sdelay $0x4  }
0x61: {  	v62 =	vshll.u32 v3, $0x2  }
0x62: {  	v3 =	vand.u32 $0x7, v3;
	v4 =	vand.u32 $0xFFFFFFE0, v62  }
0x63: {  	v3 =	vor.u32 v3, v4  }
0x64: {  	v4 =	vperm.xlane v3, v0;
	_ =	sdelay $0x1  }
0x65: {  	v4 =	vadd.s32 v1, v4;
	_ =	sdelay $0x1  }
0x66: {  	v3 =	vperm.xlane v3, v2;
	_ =	sdelay $0x1  }
0x67: {  	v3 =	vadd.s32 v1, v3  }
0x68: {  	[tilespmem:s24], [sflag:$0x1] =	stream.indirect_vreg.gather [hbm4b:s1+s3], $0x80, v4, vm0, $0xb8;
	[tilespmem:$0x9A80] =	vst v63  }
0x69: {  	_ = 	snop  }
0x6a: {  	[tilespmem:s25], [sflag:$0x1] =	stream.indirect_vreg.gather [hbm4b:s6+s3], $0x80, v4, vm0, $0xb8;
	[tilespmem:$0x9A80] =	vst v63  }
0x6b: {  	_ = 	snop  }
0x6c: {  	[tilespmem:s26], [sflag:$0x1] =	stream.indirect_vreg.gather [hbm4b:s1+s3], $0x80, v3, vm0, $0xb8;
	[tilespmem:$0x9A80] =	vst v63  }
0x6d: {  	_ = 	snop  }
0x6e: {  	[tilespmem:s28], [sflag:$0x1] =	stream.indirect_vreg.gather [hbm4b:s6+s3], $0x80, v3, vm0, $0xb8;
	[tilespmem:$0x9A80] =	vst v63  }
0x6f: {  	v3 =	vld.msk [tilespmem:$0xA40], $0xff;
	_ =	sdelay $0x4  }
0x70: {  	v63 =	vshll.u32 v3, $0x2  }
0x71: {  	v3 =	vand.u32 $0x7, v3;
	v4 =	vand.u32 $0xFFFFFFE0, v63  }
0x72: {  	v3 =	vor.u32 v3, v4  }
0x73: {  	v3 =	vperm.xlane v3, v0;
	_ =	sdelay $0x1  }
0x74: {  	v3 =	vadd.s32 v1, v3;
	_ =	sdelay $0x4  }
0x75: {  	[tilespmem:s29], [sflag:$0x1] =	stream.indirect_vreg.gather [hbm4b:s1+s3], $0x80, v3, vm0, $0xb8;
	[tilespmem:$0x9A80] =	vst v63  }
0x76: {  	_ = 	snop  }
0x77: {  	[tilespmem:s30], [sflag:$0x1] =	stream.indirect_vreg.gather [hbm4b:s6+s3], $0x80, v3, vm0, $0xb8;
	[tilespmem:$0x9A80] =	vst v63  }
0x78: {  	_ =	swait.ge [sflag:s31], $0x9000  }
0x79: {  	p0 =	sne.s32 s4, $0x62;
	[sflag:s31] =	ssyncset.done $0x0  }
.Ltmp0:
0x7a: {  	[sflag:s31] =	ssyncadd.s32 $0xFFFF7000;
	(pc) =	sbr.rel @p0 .LBB2_2-.Ltmp0, $4  }
0x7b: {  	[hbm4b:s8+s3] =	stream.linear.scatter [tilespmem:s12], [sflag:$0x2], $0x9000, $0x38;
	[tilespmem:$0x9A80] =	vst v63  }
0x7c: {  	_ =	swait.ge [sflag:s10], $0x9000  }
0x7d: {  	s9 =	sadd.s32 $0x20, s9;
	[sflag:s10] =	ssyncset.done $0x0  }
0x7e: {  	s4 =	sadd.s32 $0x2, s4;
	s8 =	sadd.s32 $0x28000, s8;
	[sflag:s10] =	ssyncadd.s32 $0xFFFF7000  }
0x7f: {  	s0 =	sadd.s32 $0x1, s0;
	s4 =	rddreg [dreg:$0x6]  }
0x80: {  	p0 =	sne.s32 s0, s4  }
.Ltmp1:
0x81: {  	_ = 	snop;
	(pc) =	sbr.rel @p0 .LBB2_1-.Ltmp1, $1  }
0x82: {  	_ =	sdelay $0x3  }
0x83: {  	_ =	sfence.sel $0x180000  }
0x84: {  	[bflag:$0x0] =	sbarrier.arrive $0xFFFF  }
0x85: {  	_ =	strace $0x90000047  }
0x86: {  	s0 =	stileid.u32;
	[bflag:$0x2] =	sbarrier.arrive $0xFFFF  }
0x87: {  	p0 =	sne.s32 s0, $0x0;
	s0 =	rddreg [dreg:$0x2]  }
0x88: {  	s0 =	sadd.s32 @!p0 $0x100000, s0  }
0x89: {  	[sflag:s0] =	ssyncadd.tile.s32 @!p0 $0x1;
	_ =	shalt  }
.Lfunc_end2:
_tile_overlayer_lowered:
.L_overlay_start_2:
0x8a: {  	(tag) =	ssettag $0x2  }
0x8b: {  	s0 =	rddreg [dreg:$0x0];
	s2 =	stileid.u32  }
0x8c: {  	s1 =	rddreg [dreg:$0x1];
	p0 =	sne.s32 s2, $0x0  }
0x8d: {  	s3 =	rddreg [dreg:$0x2];
	[bflag:$0x3] =	sbarrier.arrive $0xFFFF;
	s2 =	simm.s32 @!p0 $0x1C02  }
0x8e: {  	[timem:s3], [sflag:s2] =	dma.local @!p0 [hbm:s0], s1  }
0x8f: {  	s0 =	simm.s32 @!p0 $0x2  }
0x90: {  	_ =	swait.ge @!p0 [sflag:s0], s1  }
0x91: {  	s1 =	ssub.s32 @!p0 $0x0, s1;
	[sflag:s0] =	ssyncset.done @!p0 $0x0  }
0x92: {  	[sflag:s0] =	ssyncadd.s32 @!p0 s1  }
0x93: {  	[bflag:$0x3] =	sbarrier.arrive $0xFFFF  }
0x94: {  	_ =	shalt  }

</sc_bundles>
